<compile_context>
chip_gen: v7x
topology: tpu7x:2x2x1
jax: 0.10.2.dev20260603
libtpu: 0.0.44.dev20260713+nightly
codegen_flags: <defaults>
</compile_context>

<pallas_src>
import functools

import jax
import jax.numpy as jnp
from jax.experimental import pallas as pl
from jax.experimental.pallas import tpu as pltpu

_TOP_K = 0.1
_UNIFORM_R = 0.5


def _encode_body(f_ref, w_ref, b_ref, enc_ref, comp_ref):
    x = f_ref[0]
    e = jnp.dot(w_ref[...], x, preferred_element_type=jnp.float32) + b_ref[...]
    enc_ref[0] = e
    comp_ref[0, 0] = jnp.sum(e, axis=0)


def _encode_compress(features_flat, W_conv, b_col, chunk):
    N, C, HW = features_flat.shape
    grid = (N, HW // chunk)
    return pl.pallas_call(
        _encode_body,
        grid=grid,
        in_specs=[
            pl.BlockSpec((1, C, chunk), lambda n, c: (n, 0, c)),
            pl.BlockSpec((C, C), lambda n, c: (0, 0)),
            pl.BlockSpec((C, 1), lambda n, c: (0, 0)),
        ],
        out_specs=[
            pl.BlockSpec((1, C, chunk), lambda n, c: (n, 0, c)),
            pl.BlockSpec((1, 1, chunk), lambda n, c: (n, 0, c)),
        ],
        out_shape=[
            jax.ShapeDtypeStruct((N, C, HW), jnp.float32),
            jax.ShapeDtypeStruct((N, 1, HW), jnp.float32),
        ],
    )(features_flat, W_conv, b_col)


def kernel(features, W_conv, b_conv):
    N, C, H, W = features.shape
    HW = H * W
    feats = features.reshape(N, C, HW)
    encoded_flat, compressed = _encode_compress(feats, W_conv, b_conv.reshape(C, 1), 2048)
    compressed = compressed.reshape(N, HW)
    encoded = encoded_flat.reshape(N, C, H, W)

    k_full = int(HW * _TOP_K)
    k = int(k_full * _UNIFORM_R)
    _, indices = jax.lax.top_k(compressed, k)
    perm = jax.random.permutation(jax.random.key(42), N)
    indices = indices[perm]
    h = indices // W
    w = indices % W
    sparse_indices = jnp.stack([h, w], axis=-1).astype(jnp.int32)
    sparse_features = jnp.take_along_axis(compressed, indices, axis=1)
    return sparse_features, sparse_indices, encoded

# --- scband reference (transcript-rebuilt; emitter-appended) ---
"""Pipeline reference for scband-compress-core-16655883174674 (READ-ONLY COPY).

The authoritative reference and input builder live on the scoring server;
editing this copy changes nothing except your own understanding.
"""

import jax, jax.numpy as jnp
import numpy as np

TOP_K = 0.1
UNIFORM_R = 0.5

def setup_inputs(seed: int = 0) -> dict:
    key = jax.random.key(seed)
    k1, k2, k3 = jax.random.split(key, 3)
    features = jax.random.normal(k1, (4, 64, 256, 256), dtype=jnp.float32)
    W_conv = jax.random.normal(k2, (64, 64), dtype=jnp.float32) * 0.05
    b_conv = jax.random.normal(k3, (64,), dtype=jnp.float32) * 0.05
    return {"features": features, "W_conv": W_conv, "b_conv": b_conv}

def reference(features, W_conv, b_conv):
    N, C, H, W = features.shape
    # compressor: 1x1 Conv2d(C -> C) == per-pixel matmul over channels
    encoded = jnp.einsum('nchw,oc->nohw', features, W_conv) + b_conv[None, :, None, None]
    # sum over channel dim
    compressed = jnp.sum(encoded, axis=1)  # [N, H, W]
    features_selected = int(H * W * TOP_K)
    compressed_flattened = compressed.reshape(N, H * W)
    values, indices = jax.lax.top_k(compressed_flattened, features_selected)
    new_features_selected = int(features_selected * UNIFORM_R)
    # torch.randperm(N) -> deterministic permutation with fixed key
    perm = jax.random.permutation(jax.random.key(42), N)
    indices = indices[perm][:, :new_features_selected]  # [N, new_features_selected]
    h = indices // W
    w = indices % W
    sparse_indices = jnp.stack([h, w], axis=-1).astype(jnp.int32)  # [N, K, 2]
    # sparse_features[i, j] = compressed[i, h[i,j], w[i,j]] == flat[i, indices[i,j]]
    sparse_features = jnp.take_along_axis(compressed_flattened, indices, axis=1)
    return sparse_features, sparse_indices, encoded

if __name__ == "__main__":
    import jax
    _d = setup_inputs()
    print(jax.jit(kernel)(*tuple(_d.values())))

</pallas_src>

<mosaic_0001>
module attributes {stable_mosaic.version = 14 : i64} {
  func.func @_encode_body(%arg0: i32, %arg1: i32, %arg2: memref<1x64x2048xf32, #tpu.memory_space<vmem>>, %arg3: memref<64x64xf32, #tpu.memory_space<vmem>>, %arg4: memref<64x1xf32, #tpu.memory_space<vmem>>, %arg5: memref<1x64x2048xf32, #tpu.memory_space<vmem>>, %arg6: memref<1x1x2048xf32, #tpu.memory_space<vmem>>) attributes {dimension_semantics = [#tpu.dimension_semantics<arbitrary>, #tpu.dimension_semantics<arbitrary>], iteration_bounds = array<i64: 4, 32>, scalar_prefetch = 0 : i64, scratch_operands = 0 : i64, tpu.core_type = #tpu.core_type<tc>, window_params = [{transform_indices = @transform_0, window_bounds = array<i64: 1, 64, 2048>}, {pipeline_mode = #tpu.pipeline_mode<synchronous>, transform_indices = @transform_1, window_bounds = array<i64: 64, 64>}, {pipeline_mode = #tpu.pipeline_mode<synchronous>, transform_indices = @transform_2, window_bounds = array<i64: 64, 1>}, {transform_indices = @transform_3, window_bounds = array<i64: 1, 64, 2048>}, {transform_indices = @transform_4, window_bounds = array<i64: 1, 1, 2048>}]} {
    %get3A = arith.constant 0 : index
    %get3A_0 = arith.constant 0 : index
    %get3A_1 = arith.constant 0 : index
    %get3A_2 = vector.load %arg2[%get3A, %get3A_0, %get3A_1] : memref<1x64x2048xf32, #tpu.memory_space<vmem>>, vector<1x64x2048xf32>
    %get3A_3 = vector.shape_cast %get3A_2 : vector<1x64x2048xf32> to vector<64x2048xf32>
    %get3A_4 = arith.constant 0 : index
    %get3A_5 = arith.constant 0 : index
    %get3A_6 = vector.load %arg3[%get3A_4, %get3A_5] : memref<64x64xf32, #tpu.memory_space<vmem>>, vector<64x64xf32>
    %dot_general3A = arith.constant dense<0.000000e+00> : vector<64x2048xf32>
    %dot_general3A_7 = tpu.matmul %get3A_6, %get3A_3, %dot_general3A {dimension_numbers = #tpu.dot_dimension_numbers<[1], [0], [0], [1], [0, 0, 1, 1], [], []>, transpose_lhs_hint = false} : vector<64x64xf32>, vector<64x2048xf32>, vector<64x2048xf32> -> vector<64x2048xf32>
    %get3A_8 = arith.constant 0 : index
    %get3A_9 = arith.constant 0 : index
    %get3A_10 = vector.load %arg4[%get3A_8, %get3A_9] : memref<64x1xf32, #tpu.memory_space<vmem>>, vector<64x1xf32>
    %add3A = vector.broadcast %get3A_10 : vector<64x1xf32> to vector<64x2048xf32>
    %add3A_11 = arith.addf %dot_general3A_7, %add3A : vector<64x2048xf32>
    %swap3A = arith.constant 0 : index
    %swap3A_12 = arith.constant 0 : index
    %swap3A_13 = arith.constant 0 : index
    %swap3A_14 = vector.load %arg5[%swap3A, %swap3A_12, %swap3A_13] : memref<1x64x2048xf32, #tpu.memory_space<vmem>>, vector<1x64x2048xf32>
    %swap3A_15 = vector.shape_cast %swap3A_14 : vector<1x64x2048xf32> to vector<64x2048xf32>
    %swap3A_16 = vector.shape_cast %add3A_11 : vector<64x2048xf32> to vector<1x64x2048xf32>
    tpu.vector_store %arg5[%swap3A, %swap3A_12, %swap3A_13], %swap3A_16 {strides = array<i32>} : memref<1x64x2048xf32, #tpu.memory_space<vmem>>, vector<1x64x2048xf32>,
    %reduce_sum3A = arith.constant dense<0.000000e+00> : vector<2048xf32>
    %reduce_sum3A_17 = vector.multi_reduction <add>, %add3A_11, %reduce_sum3A [0] : vector<64x2048xf32> to vector<2048xf32>
    %swap3A_18 = arith.constant 0 : index
    %swap3A_19 = arith.constant 0 : index
    %swap3A_20 = arith.constant 0 : index
    %swap3A_21 = vector.load %arg6[%swap3A_18, %swap3A_19, %swap3A_20] : memref<1x1x2048xf32, #tpu.memory_space<vmem>>, vector<1x1x2048xf32>
    %swap3A_22 = vector.shape_cast %swap3A_21 : vector<1x1x2048xf32> to vector<2048xf32>
    %swap3A_23 = vector.shape_cast %reduce_sum3A_17 : vector<2048xf32> to vector<1x1x2048xf32>
    tpu.vector_store %arg6[%swap3A_18, %swap3A_19, %swap3A_20], %swap3A_23 {strides = array<i32>} : memref<1x1x2048xf32, #tpu.memory_space<vmem>>, vector<1x1x2048xf32>,
    return
  }
  func.func @transform_0(%arg0: i32, %arg1: i32) -> (i32, i32, i32) {
    %c0_i32 = arith.constant 0 : i32
    %c0_i32_0 = arith.constant 0 : i32
    return %arg0, %c0_i32, %arg1 : i32, i32, i32
  }
  func.func @transform_1(%arg0: i32, %arg1: i32) -> (i32, i32) {
    %c0_i32 = arith.constant 0 : i32
    %c0_i32_0 = arith.constant 0 : i32
    %c0_i32_1 = arith.constant 0 : i32
    return %c0_i32, %c0_i32_0 : i32, i32
  }
  func.func @transform_2(%arg0: i32, %arg1: i32) -> (i32, i32) {
    %c0_i32 = arith.constant 0 : i32
    %c0_i32_0 = arith.constant 0 : i32
    %c0_i32_1 = arith.constant 0 : i32
    return %c0_i32, %c0_i32_0 : i32, i32
  }
  func.func @transform_3(%arg0: i32, %arg1: i32) -> (i32, i32, i32) {
    %c0_i32 = arith.constant 0 : i32
    %c0_i32_0 = arith.constant 0 : i32
    return %arg0, %c0_i32, %arg1 : i32, i32, i32
  }
  func.func @transform_4(%arg0: i32, %arg1: i32) -> (i32, i32, i32) {
    %c0_i32 = arith.constant 0 : i32
    %c0_i32_0 = arith.constant 0 : i32
    return %arg0, %c0_i32, %arg1 : i32, i32, i32
  }
}

</mosaic_0001>

<sc_bundles>
// kernel: gather_offload_async_start
scs
__scs_entry_jumppad:
0x0: {  	(pc) =	sbr.rel $0x88, $3  }
0x1: {  	(tag) =	ssettag $0x0;
	lr =	simm.s32 $0x1  }
0x2: {  	[smem:$0x3F9E] =	sst lr;
	_ =	strace $0xD0000000  }
0x3: {  	_ = 	snop  }
0x4: {  	_ = 	snop  }
0x5: {  	_ = 	snop  }
0x6: {  	_ = 	snop  }
0x7: {  	_ = 	snop  }
__scs_overlays_trampoline_lowered:
0x8: {  	[smem:$0x3FAD] =	sst s0  }
0x9: {  	[smem:$0x3FAE] =	sst s1  }
0xa: {  	[smem:$0x3FAF] =	sst s2  }
0xb: {  	[smem:$0x3FB0] =	sst s3  }
0xc: {  	[smem:$0x3FB1] =	sst s4  }
0xd: {  	[smem:$0x3FB2] =	sst s5  }
0xe: {  	[smem:$0x3FB3] =	sst s6  }
0xf: {  	[smem:$0x3FB4] =	sst s7  }
0x10: {  	[smem:$0x3FB5] =	sst s8  }
0x11: {  	[smem:$0x3FB6] =	sst s9;
	s0 =	simm.s32 @!p0 $0x0  }
0x12: {  	s1 =	sld [smem:$0x3F9C];
	s0 =	simm.s32 @p0 $0x1  }
0x13: {  	[smem:$0x3FB7] =	sst s0;
	s0 =	simm.s32 @!p1 $0x0  }
0x14: {  	s2 =	sld [smem:$0x3F9B];
	s0 =	simm.s32 @p1 $0x1  }
0x15: {  	[smem:$0x3FB8] =	sst s0;
	s0 =	simm.s32 @!p2 $0x0  }
0x16: {  	s3 =	sld [smem:$0x3FDB];
	s0 =	simm.s32 @p2 $0x1  }
0x17: {  	s4 =	simm.s32 $0x1BF5;
	[smem:$0x3FBA] =	sst s0  }
0x18: {  	s0 =	sld [smem:$0x3F9D];
	_ =	swait.ge [sflag:s4], $0x0  }
0x19: {  	s7 =	sld [smem:$0x3F9E]  }
0x1a: {  	s8 =	sadd.s32 $0xFFFFE003, lr  }
0x1b: {  	s9 =	sadd.s32 $0xFFFFFEF7, lr;
	s5 =	simm.s32 $0xFFFFFFFF;
	p2 =	slt.u32 s8, $0xFFFFF086  }
0x1c: {  	p1 =	slt.u32 s9, $0xF7A;
	s5 =	simm.s32 @!p2 $0x0  }
0x1d: {  	s5 =	simm.s32 @p1 $0x1;
	p0 =	seq.s32 s7, s2  }
0x1e: {  	s7 =	smul.u32 @!p0 $0xF7A, s2;
	p2 =	seq.s32 @!p0 s5, $0x0  }
0x1f: {  	s9 =	smul.u32 $0xF7A, s1;
	s8 =	simm.s32 @!p0 $0x1BF5;
	p2 =	por !p2, p0  }
0x20: {  	[sflag:s8] =	ssyncset.s32 @!p0 $0xFFFFF086;
	s6 =	sadd.s32 @!p0 s3, s7;
	s7 =	simm.s32 @!p0 $0x108  }
0x21: {  	s3 =	sadd.s32 s3, s9;
	s6 =	sadd.s32 @!p0 $0x88, s6;
	s7 =	simm.s32 @p2 $0x1082  }
0x22: {  	[simem:s7], [sflag:s8] =	dma.local @!p0 [hbm:s6], $0xF7A  }
0x23: {  	s9 =	sor.u32 $0xD0000000, s2;
	s6 =	simm.s32 $0x108;
	_ =	swait.ge @!p0 [sflag:s8], $0x0  }
0x24: {  	s3 =	sadd.s32 $0x88, s3;
	s6 =	simm.s32 @!p1 $0x1082;
	[sflag:s4] =	ssyncset.s32 $0xFFFFF086  }
0x25: {  	[simem:s6], [sflag:s4] =	dma.local [hbm:s3], $0xF7A  }
0x26: {  	[smem:$0x3F9E] =	sst s1;
	(tag) =	ssettag s2;
	_ =	strace s9  }
0x27: {  	s1 =	sld [smem:$0x3FAE]  }
0x28: {  	s2 =	sld [smem:$0x3FAF]  }
0x29: {  	s4 =	sld [smem:$0x3FB1]  }
0x2a: {  	p0 =	seq.s32 s5, $0x0;
	s5 =	sld [smem:$0x3FB2]  }
0x2b: {  	s6 =	sld [smem:$0x3FB3]  }
0x2c: {  	s7 =	sld [smem:$0x3FB4]  }
0x2d: {  	s3 =	simm.s32 $0x108;
	s8 =	sld [smem:$0x3FB5]  }
0x2e: {  	s3 =	simm.s32 @!p0 $0x1082;
	s9 =	sld [smem:$0x3FB6]  }
0x2f: {  	lr =	sadd.s32 s0, s3;
	s0 =	sld [smem:$0x3FAD]  }
0x30: {  	s3 =	sld [smem:$0x3FB0]  }
0x31: {  	[smem:$0x3FB9] =	sst s10  }
0x32: {  	s10 =	sld [smem:$0x3FB7];
	_ =	sdelay $0x3  }
0x33: {  	p0 =	seq.s32 s10, $0x1;
	s10 =	sld [smem:$0x3FB9];
	_ =	sdelay $0x3  }
0x34: {  	[smem:$0x3FB9] =	sst s10  }
0x35: {  	s10 =	sld [smem:$0x3FB8];
	_ =	sdelay $0x3  }
0x36: {  	p1 =	seq.s32 s10, $0x1;
	s10 =	sld [smem:$0x3FB9];
	_ =	sdelay $0x3  }
0x37: {  	[smem:$0x3FB9] =	sst s10  }
0x38: {  	s10 =	sld [smem:$0x3FBA]  }
0x39: {  	_ = 	snop;
	(pc) =	sbr.ind lr, $3  }
0x3a: {  	_ = 	snop  }
0x3b: {  	_ = 	snop  }
0x3c: {  	p2 =	seq.s32 s10, $0x1;
	s10 =	sld [smem:$0x3FB9]  }
0x3d: {  	_ =	shalt  }
0x3e: {  	_ =	shalt  }
0x3f: {  	_ =	shalt  }
0x40: {  	_ =	shalt  }
0x41: {  	_ =	shalt  }
0x42: {  	_ =	shalt  }
0x43: {  	_ =	shalt  }
0x44: {  	_ =	shalt  }
0x45: {  	_ =	shalt  }
0x46: {  	_ =	shalt  }
0x47: {  	_ =	shalt  }
0x48: {  	_ =	shalt  }
0x49: {  	_ =	shalt  }
0x4a: {  	_ =	shalt  }
0x4b: {  	_ =	shalt  }
0x4c: {  	_ =	shalt  }
0x4d: {  	_ =	shalt  }
0x4e: {  	_ =	shalt  }
0x4f: {  	_ =	shalt  }
0x50: {  	_ =	shalt  }
0x51: {  	_ =	shalt  }
0x52: {  	_ =	shalt  }
0x53: {  	_ =	shalt  }
0x54: {  	_ =	shalt  }
0x55: {  	_ =	shalt  }
0x56: {  	_ =	shalt  }
0x57: {  	_ =	shalt  }
0x58: {  	_ =	shalt  }
0x59: {  	_ =	shalt  }
0x5a: {  	_ =	shalt  }
0x5b: {  	_ =	shalt  }
0x5c: {  	_ =	shalt  }
0x5d: {  	_ =	shalt  }
0x5e: {  	_ =	shalt  }
0x5f: {  	_ =	shalt  }
0x60: {  	_ =	shalt  }
0x61: {  	_ =	shalt  }
0x62: {  	_ =	shalt  }
0x63: {  	_ =	shalt  }
0x64: {  	_ =	shalt  }
0x65: {  	_ =	shalt  }
0x66: {  	_ =	shalt  }
0x67: {  	_ =	shalt  }
0x68: {  	_ =	shalt  }
0x69: {  	_ =	shalt  }
0x6a: {  	_ =	shalt  }
0x6b: {  	_ =	shalt  }
0x6c: {  	_ =	shalt  }
0x6d: {  	_ =	shalt  }
0x6e: {  	_ =	shalt  }
0x6f: {  	_ =	shalt  }
0x70: {  	_ =	shalt  }
0x71: {  	_ =	shalt  }
0x72: {  	_ =	shalt  }
0x73: {  	_ =	shalt  }
0x74: {  	_ =	shalt  }
0x75: {  	_ =	shalt  }
0x76: {  	_ =	shalt  }
0x77: {  	_ =	shalt  }
0x78: {  	_ =	shalt  }
0x79: {  	_ =	shalt  }
0x7a: {  	_ =	shalt  }
0x7b: {  	_ =	shalt  }
0x7c: {  	_ =	shalt  }
0x7d: {  	_ =	shalt  }
0x7e: {  	_ =	shalt  }
0x7f: {  	_ =	shalt  }
0x80: {  	_ =	shalt  }
0x81: {  	_ =	shalt  }
0x82: {  	_ =	shalt  }
0x83: {  	_ =	shalt  }
0x84: {  	_ =	shalt  }
0x85: {  	_ =	shalt  }
0x86: {  	_ =	shalt  }
0x87: {  	_ =	shalt  }
.Lfunc_end0:
.L_simem_size_0:
called_computation.1_lowered:
.L_overlay_start_0:
0x88: {  	s0 =	sld [smem:$0x3FD9]  }
0x89: {  	s1 =	sld [smem:$0x3FFE];
	_ =	sdelay $0x3  }
0x8a: {  	s0 =	sadd.s32 s1, s0  }
0x8b: {  	[smem:$0x3FC5] =	sst s0  }
0x8c: {  	_ = 	snop  }
0x8d: {  	(tm) =	ssettm $0x1  }
0x8e: {  	s15 =	sld [smem:$0x3FFB];
	_ =	sdelay $0x3  }
0x8f: {  	_ =	strace s15  }
0x90: {  	s0 =	sld [smem:$0x3FFC];
	_ =	sdelay $0x3  }
0x91: {  	_ =	strace s0  }
0x92: {  	s0 =	sld [smem:$0x3FFD];
	_ =	sdelay $0x3  }
0x93: {  	_ =	strace s0  }
0x94: {  	_ =	strace $0x8FFFFFFF  }
0x95: {  	s16 =	sld [smem:$0x3FDB];
	_ =	sdelay $0x1  }
0x96: {  	s17 =	simm.s32 $_scs_section_size  }
0x97: {  	s2 =	simm.s32 $_size__tile_overlayer_lowered;
	s3 =	simm.s32 $_tile_overlayer_lowered  }
0x98: {  	s20 =	simm.s32 $0x1BFF;
	s19 =	sshll.u32 s3, $0x1;
	s0 =	sadd.s32 s17, s16  }
0x99: {  	s4 =	simm.s32 $0x0;
	s18 =	sshll.u32 s2, $0x1;
	s2 =	sadd.s32 s19, s0  }
0x9a: {  	[timem:s4], [sflag:s20] =	dma.local [hbm:s2], s18  }
0x9b: {  	_ =	swait.ge [sflag:s20], s18  }
0x9c: {  	s1 =	ssub.s32 $0x0, s18;
	[sflag:s20] =	ssyncset.done $0x0  }
0x9d: {  	[sflag:s20] =	ssyncadd.s32 s1;
	_ =	sdelay $0x1  }
0x9e: {  	s21 =	simm.s32 $0x1B8B  }
0x9f: {  	_ =	swait.ge [sflag:s21], $0x1  }
0xa0: {  	[sflag:s21] =	ssyncset.done $0x0  }
0xa1: {  	s23 =	simm.s32 $0x1B8E;
	s22 =	sld [smem:$0x3FFE];
	[sflag:s21] =	ssyncadd.s32 $0xFFFFFFFF  }
0xa2: {  	s24 =	simm.s32 $execute0_lowered;
	[smem:$0x3FD2] =	sst s23  }
0xa3: {  	s2 =	sshll.u32 s24, $0x1;
	_ =	strace $0x80000046;
	[dreg:$0x1] =	wrdreg $0xFFFFFFFF  }
0xa4: {  	s25 =	simm.s32 $_size_execute0_lowered;
	s0 =	sadd.s32 s0, s2;
	[dreg:$0x0] =	wrdreg $0x0  }
0xa5: {  	s2 =	sshll.u32 s25, $0x1;
	[dreg:$0x2] =	wrdreg s0  }
0xa6: {  	[dreg:$0x3] =	wrdreg s2  }
0xa7: {  	[dreg:$0x4] =	wrdreg $0xC0  }
0xa8: {  	_ =	task [dreg:s4], $0x5FFFF  }
0xa9: {  	[dreg:$0x1] =	wrdreg $0xFFFFFFFF  }
0xaa: {  	[dreg:$0x0] =	wrdreg $0x60  }
0xab: {  	[dreg:$0x2] =	wrdreg s22  }
0xac: {  	[dreg:$0x3] =	wrdreg $0xA  }
0xad: {  	_ =	task.clear_ibuf [dreg:s4], $0x4FFFF;
	_ =	strace $0x90000046  }
0xae: {  	s26 =	simm.s32 $0xA;
	_ =	strace $0x80000048  }
0xaf: {  	_ =	swait.ge [sflag:s26], $0x1  }
0xb0: {  	[sflag:s26] =	ssyncadd.s32 $0xFFFFFFFF  }
0xb1: {  	_ =	strace $0x90000048  }
0xb2: {  	_ =	sfence  }
0xb3: {  	s28 =	sld [smem:$0x0];
	_ =	sdelay $0x1  }
0xb4: {  	s29 =	srdreg.scid  }
0xb5: {  	s30 =	sshll.u32 s29, $0xD;
	s31 =	sshrl.u32 s29, $0x2  }
0xb6: {  	s1 =	sand.u32 $0x1, s29;
	s2 =	sand.u32 $0x4000, s30;
	s0 =	sadd.s32 s31, s28  }
0xb7: {  	s1 =	sor.u32 s2, s1;
	s0 =	sshll.u32 s0, $0x11  }
0xb8: {  	s0 =	sor.u32 s0, s1  }
0xb9: {  	s0 =	sadd.s32 $0x8F2B, s0  }
0xba: {  	[sflag:s0] =	ssyncadd.remote.s32 $0x1  }
0xbb: {  	_ =	sfence.sel $0xFFFF  }
0xbc: {  	[dreg:$0x0] =	wrdreg $0xFFFFFFFF;
	(pc) =	sbr.abs _section_cstart, $3  }
0xbd: {  	[dreg:$0x1] =	wrdreg $0xFFFFFFFF  }
0xbe: {  	_ =	task.clear_ibuf [dreg:s4], $0x2FFFF;
	_ =	strace $0x9FFFFFFF  }
0xbf: {  	(tm) =	ssettm $0x7FFFFFFF  }
tec
execute0_lowered:
.L_overlay_start_1:
0x0: {  	(tag) =	ssettag $0x1  }
0x1: {  	s8 =	rddreg [dreg:$0x0]  }
0x2: {  	s0 =	rddreg [dreg:$0x1];
	_ =	strace $0x80000047  }
0x3: {  	s1 =	stileid.u32;
	s5 =	simm.s32 $0x1;
	s6 =	simm.s32 $0x2700  }
0x4: {  	s9 =	simm.s32 $0x1;
	s10 =	simm.s32 $0x3;
	s13 =	simm.s32 $0x0  }
0x5: {  	s12 =	simm.s32 $0x0;
	s2 =	sadd.s32 $0x200000, s8;
	s4 =	smul.u32 $0x270, s1  }
0x6: {  	s3 =	sadd.s32 $0x208800, s8;
	p0 =	slt.u32 s1, $0x6;
	[sflag:s5] =	ssyncpa.u1 $0x0  }
.Ltmp0:
0x7: {  	s6 =	simm.s32 @!p0 $0x0;
	s7 =	ssub.s32 $0x3330, s4;
	(pc) =	sbr.rel .LBB2_1-.Ltmp0, $4  }
0x8: {  	s9 =	simm.s32 @!p0 $0x0;
	p0 =	sne.s32 s7, s6;
	s7 =	simm.s32 $0x1  }
0x9: {  	s8 =	sadd.s32 $0x209000, s8;
	s6 =	simm.s32 $0x2;
	s7 =	simm.s32 @!p0 $0x0  }
0xa: {  	s11 =	smov.u32 s4;
	[sflag:s6] =	ssyncpa.u1 $0x0;
	s7 =	sadd.s32 s9, s7  }
0xb: {  	vm0 =	vmmov $0xffff;
	[sflag:s10] =	ssyncpa.u1 $0x0;
	s10 =	simm.s32 $0x0;
	s9 =	sadd.s32 $0x1, s7  }
.LBB2_4:
0xc: {  	v5 =	vld.msk [tilespmem:s18+$0x0 ss:$0x1], $0xffff  }
0xd: {  	v6 =	vand.u32 $0x3, v1;
	v7 =	vshrl.u32 v1, $0x2  }
0xe: {  	v3 =	vor.u32 v4, v3;
	vm1 =	veq.s32 v1, $0x80000000;
	v53 =	vand.u32 $0xFFFF, v7  }
0xf: {  	v2 =	vor.u32 v2, v3;
	v54 =	vsel vm1, $0xFFFFFFFF, v6;
	v1 =	vsel vm1, $0xFFFFFFFF, v53  }
0x10: {  	v6 =	vshll.u32 v54, $0x7;
	v3 =	vand.u32 $0xFFFC0000, v54;
	v55 =	vand.u32 $0x7F, v1  }
0x11: {  	v1 =	vshll.u32 v1, $0x2;
	v6 =	vand.u32 $0x180, v6;
	v56 =	vshrl.u32 v5, $0x2  }
0x12: {  	v1 =	vand.u32 $0xFFFFFE00, v1;
	vm1 =	veq.s32 v5, $0x80000000;
	v57 =	vand.u32 $0xFFFF, v56  }
0x13: {  	v1 =	vadd.s32 v3, v1;
	v5 =	vand.u32 $0x3, v5;
	v3 =	vsel vm1, $0xFFFFFFFF, v57  }
0x14: {  	v1 =	vor.u32 v6, v1;
	v5 =	vsel vm1, $0xFFFFFFFF, v5;
	v58 =	vshll.u32 v3, $0x2  }
0x15: {  	v59 =	vshll.u32 v5, $0x7;
	v5 =	vand.u32 $0xFFFC0000, v5;
	v6 =	vand.u32 $0xFFFFFE00, v58  }
0x16: {  	v1 =	vor.u32 v55, v1;
	v61 =	vand.u32 $0x180, v59;
	v60 =	vadd.s32 v5, v6  }
0x17: {  	[tilespmem:s16], [sflag:$0x1] =	stream.indirect_vreg.gather [hbm4b:s2+s10], $0x1, v0, vm0, $0x4038;
	v62 =	vand.u32 $0x7F, v3;
	v63 =	vor.u32 v61, v60;
	[tilespmem:$0x9C0] =	vst v63  }
0x18: {  	(ifvalue) =	ssetifvalue $0x7FFFFFFF;
	v0 =	vor.u32 v62, v63  }
0x19: {  	[tilespmem:s15], [sflag:$0x1] =	stream.indirect_vreg.gather [hbm4b:s2+s10], $0x1, v2, vm0, $0x4038;
	[tilespmem:$0x9C0] =	vst v63  }
0x1a: {  	s29 =	sadd.s32 $0x10, s15;
	(ifvalue) =	ssetifvalue $0x7FFFFFFF  }
0x1b: {  	[tilespmem:s29], [sflag:$0x1] =	stream.indirect_vreg.gather [hbm4b:s2+s10], $0x1, v1, vm0, $0x4038;
	[tilespmem:$0x9C0] =	vst v63  }
0x1c: {  	s15 =	sadd.s32 $0x10, s29;
	(ifvalue) =	ssetifvalue $0x7FFFFFFF  }
0x1d: {  	[tilespmem:s15], [sflag:$0x1] =	stream.indirect_vreg.gather [hbm4b:s2+s10], $0x1, v0, vm0, $0x4038;
	[tilespmem:$0x9C0] =	vst v63  }
0x1e: {  	_ =	swait.ge [sflag:s5], $0x270  }
0x1f: {  	s30 =	sshrl.u32 s13, $0x3;
	[sflag:s5] =	ssyncset.done $0x0  }
0x20: {  	s31 =	sand.u32 $0x7, s13;
	s15 =	sadd.s32 s8, s30;
	[sflag:s5] =	ssyncadd.s32 $0xFFFFFD90  }
0x21: {  	[hbm4b:s15+s31] =	stream.linear.scatter [tilespmem:s14], [sflag:$0x3], $0x270, $0x38;
	[tilespmem:$0x9C0] =	vst v63  }
.LBB2_5:
0x22: {  	s15 =	sadd.s32 $0x2700, s11  }
0x23: {  	p1 =	sgt.s32 s15, $0x332F  }
0x24: {  	s15 =	smov.u32 @p1 s4;
	p1 =	sne.s32 s12, s9  }
.Ltmp1:
0x25: {  	p0 =	slt.u32 s12, $0x2;
	(pc) =	sbr.rel @!p1 .LBB2_6-.Ltmp1, $4  }
0x26: {  	s14 =	simm.s32 @!p0 $0x3  }
0x27: {  	_ =	swait.ge @!p0 [sflag:s14], $0x270  }
0x28: {  	s16 =	sadd.s32 $0x1, s12;
	s13 =	smov.u32 s11;
	[sflag:s14] =	ssyncset.done @!p0 $0x0  }
0x29: {  	s12 =	smov.u32 s16;
	s11 =	smov.u32 s15;
	[sflag:s14] =	ssyncadd.s32 @!p0 $0xFFFFFD90  }
.LBB2_1:
0x2a: {  	p0 =	sge.u32 s12, s7  }
0x2b: {  	s14 =	sxor.u32 @!p0 $0x1, s12  }
0x2c: {  	s14 =	smul.u32 @!p0 $0x9C0, s14  }
0x2d: {  	s31 =	sadd.s32 $0xFFFFFFFF, s12;
	s15 =	sshrl.u32 @!p0 s11, $0x3  }
0x2e: {  	s16 =	sand.u32 @!p0 $0x7, s11;
	s15 =	sadd.s32 @!p0 s3, s15;
	s14 =	sshra.s32 @!p0 s14, $0x2  }
0x2f: {  	[tilespmem:s14], [sflag:$0x2] =	stream.linear.gather @!p0 [hbm4b:s15+s16], $0x270, $0x38;
	[tilespmem:$0x9C0] =	vst v63  }
0x30: {  	p0 =	sge.u32 s31, s7  }
.Ltmp2:
0x31: {  	_ = 	snop;
	(pc) =	sbr.rel @p0 .LBB2_5-.Ltmp2, $1  }
0x32: {  	_ =	sdelay $0x3  }
0x33: {  	s14 =	sand.u32 $0x1, s12  }
0x34: {  	_ =	swait.ge [sflag:s6], $0x270;
	p0 =	seq.s32 s14, $0x1;
	s14 =	simm.s32 $0x270  }
0x35: {  	[sflag:s6] =	ssyncset.done $0x0;
	s14 =	simm.s32 @!p0 $0x0  }
0x36: {  	[sflag:s6] =	ssyncadd.s32 $0xFFFFFD90;
	(ifvalue) =	ssetifvalue $0x7FFFFFFF;
	v0 =	vld.msk [tilespmem:s14+$0x0 ss:$0x1], $0xffff;
	_ =	sdelay $0x4  }
0x37: {  	s15 =	sadd.s32 $0x10, s14;
	v2 =	vshrl.u32 v0, $0x2  }
0x38: {  	v1 =	vld.msk [tilespmem:s15+$0x0 ss:$0x1], $0xffff;
	vm1 =	veq.s32 v0, $0x80000000;
	v2 =	vand.u32 $0xFFFF, v2  }
0x39: {  	v0 =	vand.u32 $0x3, v0;
	v2 =	vsel vm1, $0xFFFFFFFF, v2  }
0x3a: {  	v0 =	vsel vm1, $0xFFFFFFFF, v0;
	v3 =	vshll.u32 v2, $0x2  }
0x3b: {  	v4 =	vand.u32 $0xFFFC0000, v0;
	v0 =	vshll.u32 v0, $0x7;
	v3 =	vand.u32 $0xFFFFFE00, v3  }
0x3c: {  	v0 =	vand.u32 $0x180, v0;
	v3 =	vadd.s32 v4, v3  }
0x3d: {  	v2 =	vand.u32 $0x7F, v2;
	v4 =	vshrl.u32 v1, $0x2;
	v0 =	vor.u32 v0, v3  }
0x3e: {  	vm1 =	veq.s32 v1, $0x80000000;
	v4 =	vand.u32 $0xFFFF, v4;
	v0 =	vor.u32 v2, v0  }
0x3f: {  	s15 =	sadd.s32 $0x10, s15;
	v1 =	vand.u32 $0x3, v1;
	v3 =	vsel vm1, $0xFFFFFFFF, v4  }
0x40: {  	s14 =	sadd.s32 $0x4E0, s14;
	v2 =	vsel vm1, $0xFFFFFFFF, v1;
	v1 =	vld.msk [tilespmem:s15+$0x0 ss:$0x1], $0xffff;
	v4 =	vshll.u32 v3, $0x2  }
0x41: {  	s17 =	simm.s32 $0x30;
	s16 =	smov.u32 s14;
	v5 =	vshll.u32 v2, $0x7;
	v6 =	vand.u32 $0xFFFC0000, v2;
	v4 =	vand.u32 $0xFFFFFE00, v4  }
0x42: {  	s18 =	sadd.s32 $0x10, s15;
	(ifvalue) =	ssetifvalue $0x7FFFFFFF;
	s15 =	sadd.s32 $0x10, s14;
	v2 =	vand.u32 $0x7F, v3;
	v3 =	vadd.s32 v6, v4;
	v4 =	vand.u32 $0x180, v5  }
.LBB2_3:
0x43: {  	[tilespmem:s16], [sflag:$0x1] =	stream.indirect_vreg.gather [hbm4b:s2+s10], $0x1, v0, vm0, $0x4038;
	[tilespmem:$0x9C0] =	vst v63  }
0x44: {  	s17 =	sadd.s32 $0x10, s17  }
0x45: {  	v5 =	vand.u32 $0x3, v1;
	v6 =	vshrl.u32 v1, $0x2;
	v3 =	vor.u32 v4, v3;
	v0 =	vmovc v1;
	v1 =	vld.msk [tilespmem:s18+$0x0 ss:$0x1], $0xffff;
	p0 =	slt.u32 s17, $0x260  }
.Ltmp3:
0x46: {  	s16 =	smov.u32 s15;
	vm1 =	veq.s32 v0, $0x80000000;
	v4 =	vand.u32 $0xFFFF, v6;
	v0 =	vor.u32 v2, v3;
	(pc) =	sbr.rel @p0 .LBB2_3-.Ltmp3, $4  }
0x47: {  	v3 =	vsel vm1, $0xFFFFFFFF, v5;
	v4 =	vsel vm1, $0xFFFFFFFF, v4  }
0x48: {  	v2 =	vand.u32 $0x7F, v4;
	v4 =	vshll.u32 v4, $0x2;
	v5 =	vshll.u32 v3, $0x7  }
0x49: {  	v3 =	vand.u32 $0xFFFC0000, v3;
	v4 =	vand.u32 $0xFFFFFE00, v4  }
0x4a: {  	s18 =	sadd.s32 $0x10, s18;
	s15 =	sadd.s32 $0x10, s15;
	v3 =	vadd.s32 v3, v4;
	v4 =	vand.u32 $0x180, v5;
	(ifvalue) =	ssetifvalue $0x7FFFFFFF  }
.Ltmp4:
0x4b: {  	_ = 	snop;
	(pc) =	sbr.rel .LBB2_4-.Ltmp4, $1  }
0x4c: {  	_ =	sdelay $0x3  }
.LBB2_6:
0x4d: {  	_ =	sfence.sel $0x180000  }
0x4e: {  	s2 =	simm.s32 $0x2;
	[bflag:$0x0] =	sbarrier.arrive $0xFFFF  }
0x4f: {  	s30 =	simm.s32 $0x3;
	[sflag:s2] =	ssyncpa.u1 $0x1  }
0x50: {  	s31 =	simm.s32 $0x1;
	[sflag:s30] =	ssyncpa.u1 $0x1  }
0x51: {  	[sflag:s31] =	ssyncpa.u1 $0x1  }
0x52: {  	p0 =	sne.s32 s1, $0x0;
	_ =	strace $0x90000047  }
0x53: {  	s0 =	sadd.s32 @!p0 $0x100000, s0;
	[bflag:$0x2] =	sbarrier.arrive $0xFFFF  }
0x54: {  	[sflag:s0] =	ssyncadd.tile.s32 @!p0 $0x1;
	_ =	shalt  }
.Lfunc_end2:
_tile_overlayer_lowered:
.L_overlay_start_2:
0x55: {  	(tag) =	ssettag $0x2  }
0x56: {  	s0 =	rddreg [dreg:$0x0];
	s2 =	stileid.u32  }
0x57: {  	s1 =	rddreg [dreg:$0x1];
	p0 =	sne.s32 s2, $0x0  }
0x58: {  	s3 =	rddreg [dreg:$0x2];
	[bflag:$0x3] =	sbarrier.arrive $0xFFFF;
	s2 =	simm.s32 @!p0 $0x1C01  }
0x59: {  	[timem:s3], [sflag:s2] =	dma.local @!p0 [hbm:s0], s1  }
0x5a: {  	s0 =	simm.s32 @!p0 $0x1  }
0x5b: {  	_ =	swait.ge @!p0 [sflag:s0], s1  }
0x5c: {  	s1 =	ssub.s32 @!p0 $0x0, s1;
	[sflag:s0] =	ssyncset.done @!p0 $0x0  }
0x5d: {  	[sflag:s0] =	ssyncadd.s32 @!p0 s1  }
0x5e: {  	[bflag:$0x3] =	sbarrier.arrive $0xFFFF  }
0x5f: {  	_ =	shalt  }

// kernel: sparse-core-data-format-call.cloned.1.call-start
scs
called_computation_lowered:
.L_overlay_start_0:
0x0: {  	s2 =	sld [smem:$0x3FD9]  }
0x1: {  	s3 =	sld [smem:$0x3FFE];
	_ =	sdelay $0x1  }
0x2: {  	s1 =	srdreg.scid  }
0x3: {  	s0 =	sand.u32 $0x1, s1  }
0x4: {  	s16 =	sshll.u32 s0, $0xA;
	s2 =	sadd.s32 s3, s2  }
0x5: {  	s2 =	sadd.s32 s2, s16  }
0x6: {  	[smem:$0x3FC5] =	sst s2  }
0x7: {  	_ = 	snop  }
0x8: {  	s2 =	sld [smem:$0x3FD0];
	_ =	sdelay $0x2  }
0x9: {  	s17 =	simm.s32 $0xB;
	s4 =	simm.s32 $0x10  }
0xa: {  	[smem:s4], [sflag:s17] =	dma.local [hbm:s2], $0x1  }
0xb: {  	_ =	swait.eq [sflag:s17], $0x1  }
0xc: {  	[sflag:s17] =	ssyncset.done $0x0  }
0xd: {  	[sflag:s17] =	ssyncadd.s32 $0xFFFFFFFF  }
0xe: {  	s18 =	sld [smem:$0x12];
	(tm) =	ssettm $0x1  }
0xf: {  	s19 =	sld [smem:$0x3FFB];
	_ =	sdelay $0x3  }
0x10: {  	_ =	strace s19  }
0x11: {  	s2 =	sld [smem:$0x3FFC];
	_ =	sdelay $0x3  }
0x12: {  	_ =	strace s2  }
0x13: {  	s2 =	sld [smem:$0x3FFD];
	_ =	sdelay $0x3  }
0x14: {  	_ =	strace s2  }
0x15: {  	_ =	strace $0x8FFFFFFF  }
0x16: {  	s20 =	sld [smem:$0x3FDB];
	_ =	sdelay $0x1  }
0x17: {  	s21 =	simm.s32 $_scs_section_size  }
0x18: {  	s5 =	simm.s32 $_size__tile_overlayer_lowered;
	s6 =	simm.s32 $_tile_overlayer_lowered  }
0x19: {  	s7 =	simm.s32 $0x1BFF;
	s22 =	sshll.u32 s6, $0x1;
	s4 =	sadd.s32 s21, s20  }
0x1a: {  	s23 =	simm.s32 $0x0;
	s5 =	sshll.u32 s5, $0x1;
	s6 =	sadd.s32 s22, s4  }
0x1b: {  	[timem:s23], [sflag:s7] =	dma.local [hbm:s6], s5  }
0x1c: {  	_ =	swait.ge [sflag:s7], s5  }
0x1d: {  	s5 =	ssub.s32 $0x0, s5;
	[sflag:s7] =	ssyncset.done $0x0  }
0x1e: {  	[sflag:s7] =	ssyncadd.s32 s5;
	_ =	sdelay $0x1  }
0x1f: {  	s24 =	simm.s32 $0x1B8B  }
0x20: {  	_ =	swait.ge [sflag:s24], $0x1  }
0x21: {  	[sflag:s24] =	ssyncset.done $0x0  }
0x22: {  	[sflag:s24] =	ssyncadd.s32 $0xFFFFFFFF  }
0x23: {  	s5 =	sld [smem:$0x0]  }
0x24: {  	s6 =	sand.u32 $0xFFFFFFFE, s1  }
0x25: {  	p0 =	sne.s32 s1, s6  }
0x26: {  	s6 =	sshll.u32 @p0 s6, $0xE  }
0x27: {  	s6 =	sadd.s32 @p0 $0x11B8D, s6;
	s7 =	sshll.u32 @p0 s5, $0x11  }
0x28: {  	s6 =	sor.u32 @p0 s7, s6  }
0x29: {  	[sflag:s6] =	ssyncadd.remote.s32 @p0 $0x1;
	_ =	sdelay $0x1  }
0x2a: {  	s6 =	simm.s32 @p0 $0x1B8D  }
0x2b: {  	_ =	swait.eq @p0 [sflag:s6], $0x1  }
0x2c: {  	[sflag:s6] =	ssyncadd.s32 @p0 $0xFFFFFFFF  }
0x2d: {  	s7 =	sshll.u32 @!p0 s1, $0xE  }
0x2e: {  	s7 =	sor.u32 @!p0 $0x4000, s7;
	s6 =	simm.s32 @!p0 $0x1B8D  }
0x2f: {  	s5 =	sshll.u32 @!p0 s5, $0x11;
	s7 =	sadd.s32 @!p0 $0x11B8D, s7;
	_ =	swait.eq @!p0 [sflag:s6], $0x1  }
0x30: {  	s5 =	sor.u32 @!p0 s5, s7;
	[sflag:s6] =	ssyncadd.s32 @!p0 $0xFFFFFFFF  }
0x31: {  	s26 =	simm.s32 $0x1B8E;
	s25 =	sld [smem:$0x3FFE];
	[sflag:s5] =	ssyncadd.remote.s32 @!p0 $0x1  }
0x32: {  	s27 =	simm.s32 $execute0_lowered;
	[smem:$0x3FD2] =	sst s26  }
0x33: {  	s6 =	sshll.u32 s27, $0x1;
	_ =	strace $0x80000049;
	[dreg:$0x1] =	wrdreg $0xFFFFFFFF  }
0x34: {  	s28 =	simm.s32 $_size_execute0_lowered;
	s4 =	sadd.s32 s4, s6;
	[dreg:$0x0] =	wrdreg $0x0  }
0x35: {  	s6 =	sshll.u32 s28, $0x1;
	[dreg:$0x2] =	wrdreg s4  }
0x36: {  	[dreg:$0x3] =	wrdreg s6  }
0x37: {  	[dreg:$0x4] =	wrdreg $0xC0  }
0x38: {  	_ =	task [dreg:s23], $0x5FFFF  }
0x39: {  	[dreg:$0x1] =	wrdreg $0xFFFFFFFF  }
0x3a: {  	[dreg:$0x0] =	wrdreg $0x60  }
0x3b: {  	[dreg:$0x2] =	wrdreg s25  }
0x3c: {  	[dreg:$0x3] =	wrdreg s18  }
0x3d: {  	[dreg:$0x4] =	wrdreg $0x9  }
0x3e: {  	_ =	task.clear_ibuf [dreg:s23], $0x5FFFF;
	_ =	strace $0x90000049  }
0x3f: {  	s29 =	simm.s32 $0x9;
	_ =	strace $0x8000004B  }
0x40: {  	_ =	swait.ge [sflag:s29], $0x1  }
0x41: {  	[sflag:s29] =	ssyncadd.s32 $0xFFFFFFFF  }
0x42: {  	_ =	strace $0x9000004B  }
0x43: {  	_ =	sfence  }
0x44: {  	s30 =	sld [smem:$0x0];
	_ =	sdelay $0x2  }
0x45: {  	s31 =	sshll.u32 s1, $0xD;
	s1 =	sshrl.u32 s1, $0x2  }
0x46: {  	s4 =	sand.u32 $0x4000, s31;
	s1 =	sadd.s32 s1, s30  }
0x47: {  	s0 =	sor.u32 s4, s0;
	s1 =	sshll.u32 s1, $0x11  }
0x48: {  	s0 =	sor.u32 s1, s0  }
0x49: {  	s0 =	sadd.s32 $0x8F2B, s0  }
0x4a: {  	[sflag:s0] =	ssyncadd.remote.s32 $0x1  }
0x4b: {  	_ =	sfence.sel $0xFFFF  }
0x4c: {  	[dreg:$0x0] =	wrdreg $0xFFFFFFFF;
	(pc) =	sbr.abs _section_cstart, $3  }
0x4d: {  	[dreg:$0x1] =	wrdreg $0xFFFFFFFF  }
0x4e: {  	_ =	task.clear_ibuf [dreg:s23], $0x2FFFF;
	_ =	strace $0x9FFFFFFF  }
0x4f: {  	(tm) =	ssettm $0x7FFFFFFF  }
tec
execute0_lowered:
.L_overlay_start_1:
0x0: {  	(tag) =	ssettag $0x1  }
0x1: {  	s2 =	rddreg [dreg:$0x0]  }
0x2: {  	s3 =	rddreg [dreg:$0x1]  }
0x3: {  	s0 =	rddreg [dreg:$0x2];
	_ =	strace $0x8000004A;
	s4 =	srdreg.scid  }
0x4: {  	s1 =	stileid.u32;
	s6 =	simm.s32 $0x2;
	s11 =	simm.s32 $0x0  }
.Ltmp0:
0x5: {  	p0 =	por $0x0, $0x0;
	s7 =	simm.s32 $0x10000;
	(pc) =	sbr.rel .LBB1_1-.Ltmp0, $4  }
0x6: {  	s12 =	simm.s32 $0x0;
	s9 =	simm.s32 $0x0;
	s5 =	sshll.u32 s4, $0x4  }
0x7: {  	s8 =	simm.s32 $0x0;
	s4 =	simm.s32 $0x1;
	s5 =	sand.u32 $0x10, s5  }
0x8: {  	s18 =	simm.s32 $0x0;
	[sflag:s4] =	ssyncpa.u1 $0x0;
	s5 =	sor.u32 s1, s5  }
0x9: {  	[sflag:s6] =	ssyncpa.u1 $0x0;
	s6 =	simm.s32 $0x800;
	s10 =	smov.u32 s5  }
.LBB1_7:
0xa: {  	s13 =	sadd.s32 $0x8, s9  }
0xb: {  	s11 =	sadd.s32 $0x20, s10;
	s15 =	smov.u32 s10;
	p2 =	sgt.s32 s13, $0xFF  }
0xc: {  	p1 =	slt.u32 s8, $0x2;
	s15 =	smov.u32 @p2 s11  }
0xd: {  	s8 =	sadd.s32 $0x1, s8;
	s13 =	simm.s32 @p2 $0x0;
	p2 =	sgt.s32 s15, $0x1F  }
0xe: {  	s15 =	smov.u32 @p2 s5;
	p2 =	sne.s32 s8, $0x22  }
.Ltmp1:
0xf: {  	_ = 	snop;
	(pc) =	sbr.rel @!p2 .LBB1_8-.Ltmp1, $4  }
0x10: {  	s14 =	simm.s32 @!p1 $0x2  }
0x11: {  	s12 =	smov.u32 s10;
	_ =	swait.ge @!p1 [sflag:s14], $0x4000  }
0x12: {  	p0 =	por !p0, !p0;
	s11 =	smov.u32 s9;
	[sflag:s14] =	ssyncset.done @!p1 $0x0  }
0x13: {  	s9 =	smov.u32 s13;
	[sflag:s14] =	ssyncadd.s32 @!p1 $0xFFFFC000;
	s10 =	smov.u32 s15  }
.LBB1_1:
0x14: {  	p1 =	sgt.u32 s8, $0x1F  }
0x15: {  	s13 =	sxor.u32 @!p1 $0xFFFFFFFF, s8;
	s14 =	sshll.u32 @!p1 s10, $0x10  }
0x16: {  	s15 =	sshll.u32 @!p1 s9, $0x8;
	s13 =	sshll.u32 @!p1 s13, $0xE;
	s14 =	sadd.s32 @!p1 s2, s14  }
0x17: {  	s13 =	sand.u32 @!p1 $0x4000, s13;
	s14 =	sadd.s32 @!p1 s15, s14;
	s15 =	simm.s32 @!p1 $0x0  }
0x18: {  	[tilespmem:s13], [sflag:$0x1] =	stream.linear.gather @!p1 [hbm4b:s14+s15], $0x4000, $0x38;
	[tilespmem:$0x10000] =	vst v63  }
0x19: {  	p1 =	seq.s32 s8, $0x0  }
0x1a: {  	p2 =	seq.s32 @!p1 s8, $0x21  }
0x1b: {  	p1 =	por p1, p2  }
.Ltmp2:
0x1c: {  	_ = 	snop;
	(pc) =	sbr.rel @p1 .LBB1_7-.Ltmp2, $1  }
0x1d: {  	_ =	sdelay $0x3  }
0x1e: {  	s13 =	simm.s32 $0x1  }
0x1f: {  	_ =	swait.ge [sflag:s4], $0x4000;
	s31 =	sshll.u32 s8, $0xE;
	p1 =	por $0x0, $0x0  }
0x20: {  	s19 =	simm.s32 $0x0;
	s20 =	simm.s32 $0x0;
	s13 =	simm.s32 @!p0 $0x0  }
0x21: {  	[sflag:s4] =	ssyncset.done $0x0;
	s16 =	sand.u32 $0x4000, s31;
	s13 =	sshll.u32 s13, $0x10  }
0x22: {  	[sflag:s4] =	ssyncadd.s32 $0xFFFFC000;
	s17 =	sshrl.u32 s13, $0x2;
	s13 =	sor.u32 $0x8000, s16  }
0x23: {  	s14 =	sor.u32 $0x40, s17;
	s15 =	sor.u32 $0x8410, s17;
	s17 =	sadd.s32 $0x8400, s17  }
.LBB1_3:
0x24: {  	v1 =	vld [tilespmem:s14+$0xFFFFFFD0]  }
0x25: {  	v2 =	vld [tilespmem:s14+$0x430]  }
0x26: {  	s21 =	sshll.u32 s20, $0xB;
	v4 =	vld [tilespmem:s14+$0xFFFFFFE0]  }
0x27: {  	v7 =	vld [tilespmem:s14+$0xFFFFFFF0];
	v0 =	vmov s21  }
0x28: {  	v8 =	vld [tilespmem:s14+$0x0]  }
0x29: {  	s30 =	sand.u32 $0x300, s18;
	v9 =	vld [tilespmem:s14+$0x10]  }
0x2a: {  	s22 =	sand.u32 $0x80, s18;
	v10 =	vld [tilespmem:s14+$0x20];
	s21 =	sadd.s32 s30, s16  }
0x2b: {  	v11 =	vld [tilespmem:s14+$0x30];
	s21 =	sadd.s32 s22, s21;
	s22 =	simm.s32 $0x1;
	[tilespmem:s15+$0x60] =	vst v2  }
0x2c: {  	s31 =	sshll.u32 s19, $0x2;
	s22 =	simm.s32 @!p1 $0x0;
	[tilespmem:s15+$0xFFFFFC00] =	vst v1;
	v3 =	vld.idx.msk [tilespmem:v0+s21+$0x400 ss:$0x1], $0xffff  }
0x2d: {  	v6 =	vld [tilespmem:s14+$0x3D0];
	s22 =	sshll.u32 s22, $0x9;
	[tilespmem:s15+$0xFFFFFC10] =	vst v4;
	s21 =	sand.u32 $0xFFFFFC00, s31  }
0x2e: {  	v5 =	vld [tilespmem:s14+$0x3E0];
	[tilespmem:s15+$0xFFFFFC20] =	vst v7;
	s21 =	sor.u32 s22, s21  }
0x2f: {  	[tilespmem:s15+$0xFFFFFC30] =	vst v8;
	v4 =	vld [tilespmem:s14+$0x400];
	s21 =	sshrl.u32 s21, $0x2  }
0x30: {  	[tilespmem:s15+$0xFFFFFC40] =	vst v9;
	v1 =	vld [tilespmem:s14+$0x410];
	s21 =	sadd.s32 s21, s17  }
0x31: {  	[tilespmem:s21+$0x0] =	vst v3;
	v3 =	vld [tilespmem:s14+$0x3F0]  }
0x32: {  	s25 =	simm.s32 $0x80;
	s24 =	simm.s32 $0x100;
	[tilespmem:s15+$0xFFFFFC50] =	vst v10;
	v2 =	vld [tilespmem:s14+$0x420]  }
0x33: {  	s23 =	smov.u32 s15;
	s26 =	sand.u32 $0x300, s25;
	v7 =	vld [tilespmem:s14+$0xFFFFFFC0];
	[tilespmem:s15+$0xFFFFFC60] =	vst v11;
	s22 =	sadd.s32 $0x80, s14  }
.LBB1_4:
0x34: {  	p2 =	sne.s32 s24, $0x380;
	v8 =	vld [tilespmem:s22+$0xFFFFFFD0];
	s25 =	sand.u32 $0x80, s25;
	s26 =	sadd.s32 s26, s16;
	[tilespmem:s23+$0x0] =	vst v6  }
0x35: {  	s26 =	sadd.s32 s25, s26;
	v6 =	vld [tilespmem:s22+$0x430];
	[tilespmem:s23+$0x10] =	vst v5;
	s25 =	smov.u32 s24  }
0x36: {  	v5 =	vld.idx.msk [tilespmem:v0+s26+$0x400 ss:$0x1], $0xffff;
	[tilespmem:s23+$0x20] =	vst v3  }
0x37: {  	v3 =	vld [tilespmem:s22+$0xFFFFFFE0];
	[tilespmem:s23+$0x30] =	vst v4  }
0x38: {  	v4 =	vld [tilespmem:s22+$0xFFFFFFF0];
	[tilespmem:s23+$0xFFFFFBF0] =	vst v7  }
0x39: {  	v7 =	vld [tilespmem:s22+$0x0];
	[tilespmem:s23+$0x40] =	vst v1  }
0x3a: {  	v1 =	vld [tilespmem:s22+$0x10];
	[tilespmem:s23+$0x50] =	vst v2;
	s23 =	sadd.s32 $0x800, s23  }
0x3b: {  	s21 =	sadd.s32 $0x800, s21;
	v2 =	vld [tilespmem:s22+$0x20];
	[tilespmem:s23+$0x60] =	vst v6  }
0x3c: {  	v9 =	vld [tilespmem:s22+$0x30];
	[tilespmem:s21+$0x0] =	vst v5  }
0x3d: {  	[tilespmem:s23+$0xFFFFFC00] =	vst v8;
	v6 =	vld [tilespmem:s22+$0x3D0]  }
0x3e: {  	[tilespmem:s23+$0xFFFFFC10] =	vst v3;
	v5 =	vld [tilespmem:s22+$0x3E0]  }
.Ltmp3:
0x3f: {  	[tilespmem:s23+$0xFFFFFC20] =	vst v4;
	v3 =	vld [tilespmem:s22+$0x3F0];
	(pc) =	sbr.rel @p2 .LBB1_4-.Ltmp3, $4  }
0x40: {  	[tilespmem:s23+$0xFFFFFC30] =	vst v7;
	v4 =	vld [tilespmem:s22+$0x400]  }
0x41: {  	[tilespmem:s23+$0xFFFFFC40] =	vst v1;
	v1 =	vld [tilespmem:s22+$0x410]  }
0x42: {  	[tilespmem:s23+$0xFFFFFC50] =	vst v2;
	v2 =	vld [tilespmem:s22+$0x420]  }
0x43: {  	s24 =	sadd.s32 $0x80, s24;
	s26 =	sand.u32 $0x300, s25;
	v7 =	vld [tilespmem:s22+$0xFFFFFFC0];
	[tilespmem:s23+$0xFFFFFC60] =	vst v9;
	s22 =	sadd.s32 $0x80, s22  }
0x44: {  	[tilespmem:s23+$0x0] =	vst v6  }
0x45: {  	[tilespmem:s23+$0x10] =	vst v5  }
0x46: {  	v49 =	vld [tilespmem:s22+$0x430];
	[tilespmem:s23+$0x20] =	vst v3  }
0x47: {  	v50 =	vld [tilespmem:s22+$0xFFFFFFD0];
	[tilespmem:s23+$0x30] =	vst v4  }
0x48: {  	v51 =	vld [tilespmem:s22+$0xFFFFFFE0];
	[tilespmem:s23+$0x40] =	vst v1  }
0x49: {  	v52 =	vld [tilespmem:s22+$0xFFFFFFF0];
	[tilespmem:s23+$0x50] =	vst v2  }
0x4a: {  	s31 =	sadd.s32 $0x800, s23;
	v53 =	vld [tilespmem:s22+$0x0];
	[tilespmem:s23+$0xFFFFFBF0] =	vst v7  }
0x4b: {  	v54 =	vld [tilespmem:s22+$0x10];
	[tilespmem:s31+$0x60] =	vst v49  }
0x4c: {  	v55 =	vld [tilespmem:s22+$0x20];
	[tilespmem:s31+$0xFFFFFC00] =	vst v50  }
0x4d: {  	v56 =	vld [tilespmem:s22+$0x30];
	[tilespmem:s31+$0xFFFFFC10] =	vst v51  }
0x4e: {  	v57 =	vld [tilespmem:s22+$0x3D0];
	[tilespmem:s31+$0xFFFFFC20] =	vst v52  }
0x4f: {  	v58 =	vld [tilespmem:s22+$0x3E0];
	[tilespmem:s31+$0xFFFFFC30] =	vst v53  }
0x50: {  	v59 =	vld [tilespmem:s22+$0x3F0];
	[tilespmem:s31+$0xFFFFFC40] =	vst v54  }
0x51: {  	v60 =	vld [tilespmem:s22+$0x400];
	[tilespmem:s31+$0xFFFFFC50] =	vst v55  }
0x52: {  	v61 =	vld [tilespmem:s22+$0xFFFFFFC0];
	[tilespmem:s31+$0xFFFFFC60] =	vst v56  }
0x53: {  	s24 =	sand.u32 $0x80, s25;
	s30 =	sadd.s32 s26, s16;
	v62 =	vld [tilespmem:s22+$0x410];
	[tilespmem:s31+$0x0] =	vst v57  }
0x54: {  	v63 =	vld [tilespmem:s22+$0x420];
	s20 =	sadd.s32 $0x1, s20;
	s24 =	sadd.s32 s24, s30;
	[tilespmem:s31+$0x10] =	vst v58  }
0x55: {  	p2 =	sne.s32 s20, $0x8;
	v0 =	vld.idx.msk [tilespmem:v0+s24+$0x400 ss:$0x1], $0xffff;
	[tilespmem:s31+$0x20] =	vst v59  }
.Ltmp4:
0x56: {  	[tilespmem:s31+$0x30] =	vst v60;
	(pc) =	sbr.rel @p2 .LBB1_3-.Ltmp4, $4  }
0x57: {  	[tilespmem:s31+$0xFFFFFBF0] =	vst v61  }
0x58: {  	[tilespmem:s31+$0x40] =	vst v62  }
0x59: {  	s21 =	sadd.s32 $0x800, s21;
	s14 =	sadd.s32 $0x800, s14;
	[tilespmem:s31+$0x50] =	vst v63  }
0x5a: {  	s19 =	sadd.s32 $0x80, s19;
	p1 =	por !p1, !p1;
	s15 =	sadd.s32 $0x80, s15;
	[tilespmem:s21+$0x0] =	vst v0  }
0x5b: {  	s14 =	sshll.u32 s11, $0x8;
	s31 =	sshll.u32 s11, $0x7  }
.Ltmp5:
0x5c: {  	s14 =	sand.u32 $0xF800, s14;
	s11 =	sand.u32 $0x380, s31;
	(pc) =	sbr.rel .LBB1_7-.Ltmp5, $4  }
0x5d: {  	s12 =	sshll.u32 s12, $0x10;
	s11 =	sor.u32 s11, s14  }
0x5e: {  	s12 =	sadd.s32 s3, s12;
	s11 =	sshrl.u32 s11, $0x3  }
0x5f: {  	s11 =	sadd.s32 s11, s12  }
0x60: {  	[hbm4b:s11+s6] =	stream.strided.scatter [tilespmem:s13], [sflag:$0x2], $0x4000, s7, s6, $0x38;
	[tilespmem:$0x10000] =	vst v63  }
.LBB1_8:
0x61: {  	_ =	sfence.sel $0x180000  }
0x62: {  	s2 =	simm.s32 $0x1;
	[bflag:$0x0] =	sbarrier.arrive $0xFFFF  }
0x63: {  	s31 =	simm.s32 $0x2;
	[sflag:s2] =	ssyncpa.u1 $0x1  }
0x64: {  	[sflag:s31] =	ssyncpa.u1 $0x1  }
0x65: {  	p0 =	sne.s32 s1, $0x0;
	_ =	strace $0x9000004A  }
0x66: {  	s0 =	sadd.s32 @!p0 $0x100000, s0;
	[bflag:$0x2] =	sbarrier.arrive $0xFFFF  }
0x67: {  	[sflag:s0] =	ssyncadd.tile.s32 @!p0 $0x1;
	_ =	shalt  }
.Lfunc_end1:
_tile_overlayer_lowered:
.L_overlay_start_2:
0x68: {  	(tag) =	ssettag $0x2  }
0x69: {  	s0 =	rddreg [dreg:$0x0];
	s2 =	stileid.u32  }
0x6a: {  	s1 =	rddreg [dreg:$0x1];
	p0 =	sne.s32 s2, $0x0  }
0x6b: {  	s3 =	rddreg [dreg:$0x2];
	[bflag:$0x3] =	sbarrier.arrive $0xFFFF;
	s2 =	simm.s32 @!p0 $0x1C01  }
0x6c: {  	[timem:s3], [sflag:s2] =	dma.local @!p0 [hbm:s0], s1  }
0x6d: {  	s0 =	simm.s32 @!p0 $0x1  }
0x6e: {  	_ =	swait.ge @!p0 [sflag:s0], s1  }
0x6f: {  	s1 =	ssub.s32 @!p0 $0x0, s1;
	[sflag:s0] =	ssyncset.done @!p0 $0x0  }
0x70: {  	[sflag:s0] =	ssyncadd.s32 @!p0 s1  }
0x71: {  	[bflag:$0x3] =	sbarrier.arrive $0xFFFF  }
0x72: {  	_ =	shalt  }

</sc_bundles>
